<compile_context>
chip_gen: v7x
topology: tpu7x:2x2x1
jax: 0.10.2.dev20260603
libtpu: 0.0.44.dev20260713+nightly
codegen_flags: <defaults>
</compile_context>

<pallas_src>
import functools

import jax
import jax.numpy as jnp
from jax import lax
from jax.experimental import pallas as pl
from jax.experimental.pallas import tpu as pltpu
from jax.experimental.pallas import tpu_sc as plsc

N_USERS = 4096
N_POSTS = 4096
N_ALL = N_USERS + N_POSTS
H = 128

_SC_CORES = 2
_SC_SUBCORES = 16
_SC_WORKERS = _SC_CORES * _SC_SUBCORES
_GCHUNK = 128

_RM = 256
_NB = N_ALL // _RM


def _gnn_kernel(uf_ref, pf_ref, adj_ref, wu_ref, bu_ref, wp_ref, bp_ref,
                wg0_ref, bg0_ref, wg1_ref, bg1_ref, out_ref, s0_ref, s1_ref):
    f32 = jnp.float32
    i = pl.program_id(0)

    @pl.when(i == 0)
    def _proj():
        for h, (f_ref, w_ref, b_ref) in enumerate(
                ((uf_ref, wu_ref, bu_ref), (pf_ref, wp_ref, bp_ref))):
            emb = jnp.dot(f_ref[...], w_ref[...],
                          preferred_element_type=f32) + b_ref[...]
            s0_ref[pl.ds(h * N_USERS, N_USERS), :] = jnp.dot(
                emb, wg0_ref[...], preferred_element_type=f32)

    @pl.when((i >= 1) & (i <= _NB))
    def _l1():
        acc = jnp.dot(adj_ref[...], s0_ref[...], preferred_element_type=f32)
        h1 = jnp.maximum(acc + bg0_ref[...], 0.0)
        s1_ref[pl.ds((i - 1) * _RM, _RM), :] = jnp.dot(
            h1, wg1_ref[...], preferred_element_type=f32)

    @pl.when(i > _NB)
    def _l2():
        acc = jnp.dot(adj_ref[...], s1_ref[...], preferred_element_type=f32)
        out_ref[...] = jnp.maximum(acc + bg1_ref[...], 0.0)


def _gather_body(table_hbm, uidx_hbm, pidx_hbm, out_hbm,
                 idx_u, idx_p, rows_u, rows_p, sem_i, sem_g):
    wid = lax.axis_index("s") * _SC_CORES + lax.axis_index("c")
    base = wid * _GCHUNK
    cp_u = pltpu.async_copy(uidx_hbm.at[pl.ds(base, _GCHUNK)], idx_u, sem_i)
    cp_p = pltpu.async_copy(pidx_hbm.at[pl.ds(base, _GCHUNK)], idx_p, sem_i)
    cp_u.wait()
    g_u = pltpu.async_copy(table_hbm.at[idx_u], rows_u, sem_g)
    cp_p.wait()
    for k in range(_GCHUNK // 16):
        sl = pl.ds(k * 16, 16)
        idx_p[sl] = idx_p[sl] + N_USERS
    g_p = pltpu.async_copy(table_hbm.at[idx_p], rows_p, sem_g)
    g_u.wait()
    pltpu.sync_copy(rows_u, out_hbm.at[pl.ds(base, _GCHUNK)])
    g_p.wait()
    pltpu.sync_copy(rows_p, out_hbm.at[pl.ds(N_USERS + base, _GCHUNK)])


_gather_rows = functools.partial(
    pl.kernel,
    out_type=jax.ShapeDtypeStruct((2 * N_USERS, H), jnp.float32),
    scratch_types=[
        pltpu.VMEM((_GCHUNK,), jnp.int32),
        pltpu.VMEM((_GCHUNK,), jnp.int32),
        pltpu.VMEM((_GCHUNK, H), jnp.float32),
        pltpu.VMEM((_GCHUNK, H), jnp.float32),
        pltpu.SemaphoreType.DMA,
        pltpu.SemaphoreType.DMA,
    ],
    mesh=plsc.VectorSubcoreMesh(core_axis_name="c", subcore_axis_name="s"),
)(_gather_body)


def _head_kernel(bu_ref, bp_ref, w0u_ref, w0p_ref, b0_ref, w1_ref, b1_ref,
                 w2_ref, b2_ref, out_ref):
    x = (jnp.dot(bu_ref[...], w0u_ref[...], preferred_element_type=jnp.float32)
         + jnp.dot(bp_ref[...], w0p_ref[...], preferred_element_type=jnp.float32)
         + b0_ref[...])
    x = jnp.maximum(x, 0.0)
    x = jnp.maximum(
        jnp.dot(x, w1_ref[...], preferred_element_type=jnp.float32) + b1_ref[...],
        0.0)
    s = jnp.dot(x, w2_ref[...], preferred_element_type=jnp.float32) + b2_ref[...]
    out_ref[...] = jax.nn.sigmoid(s)


def kernel(user_features, post_features, adj_matrix, user_indices, post_indices,
           Wu, bu, Wp, bp, Wg0, bg0, Wg1, bg1, Wh0, bh0, Wh1, bh1, Wh2, bh2):
    f32 = jnp.float32
    d_in = user_features.shape[1]

    adj_map = lambda i: (jnp.where(i > _NB, i - _NB - 1, jnp.maximum(i - 1, 0)), 0)
    const2 = lambda i: (0, 0)
    h2 = pl.pallas_call(
        _gnn_kernel,
        grid=(2 * _NB + 1,),
        in_specs=[
            pl.BlockSpec((N_USERS, d_in), const2),
            pl.BlockSpec((N_POSTS, d_in), const2),
            pl.BlockSpec((_RM, N_ALL), adj_map),
            pl.BlockSpec((d_in, H), const2),
            pl.BlockSpec((1, H), const2),
            pl.BlockSpec((d_in, H), const2),
            pl.BlockSpec((1, H), const2),
            pl.BlockSpec((H, H), const2),
            pl.BlockSpec((1, H), const2),
            pl.BlockSpec((H, H), const2),
            pl.BlockSpec((1, H), const2),
        ],
        out_specs=pl.BlockSpec((_RM, H), lambda i: (jnp.maximum(i - _NB - 1, 0), 0)),
        out_shape=jax.ShapeDtypeStruct((N_ALL, H), f32),
        scratch_shapes=[
            pltpu.VMEM((N_ALL, H), f32),
            pltpu.VMEM((N_ALL, H), f32),
        ],
    )(user_features, post_features, adj_matrix, Wu, bu.reshape(1, H),
      Wp, bp.reshape(1, H), Wg0, bg0.reshape(1, H), Wg1, bg1.reshape(1, H))

    gathered = _gather_rows(
        h2, user_indices.astype(jnp.int32), post_indices.astype(jnp.int32))

    BB = 1024
    nb = N_USERS // BB
    scores = pl.pallas_call(
        _head_kernel,
        grid=(nb,),
        in_specs=[
            pl.BlockSpec((BB, H), lambda i: (i, 0)),
            pl.BlockSpec((BB, H), lambda i: (i + nb, 0)),
            pl.BlockSpec((H, H), lambda i: (0, 0)),
            pl.BlockSpec((H, H), lambda i: (0, 0)),
            pl.BlockSpec((1, H), lambda i: (0, 0)),
            pl.BlockSpec((H, H // 2), lambda i: (0, 0)),
            pl.BlockSpec((1, H // 2), lambda i: (0, 0)),
            pl.BlockSpec((H // 2, 1), lambda i: (0, 0)),
            pl.BlockSpec((1, 1), lambda i: (0, 0)),
        ],
        out_specs=pl.BlockSpec((BB, 1), lambda i: (i, 0)),
        out_shape=jax.ShapeDtypeStruct((N_USERS, 1), f32),
    )(gathered, gathered, Wh0[:H], Wh0[H:], bh0.reshape(1, H),
      Wh1, bh1.reshape(1, H // 2), Wh2, bh2.reshape(1, 1))
    return jnp.squeeze(scores, axis=-1)

# --- scband reference (transcript-rebuilt; emitter-appended) ---
"""Pipeline reference for scband-social-gnn-81260781240518 (READ-ONLY COPY).

The authoritative reference and input builder live on the scoring server;
editing this copy changes nothing except your own understanding.
"""

import jax, jax.numpy as jnp
import numpy as np

D_USER = 256
D_POST = 256
H = 128
N_USERS = 4096
N_POSTS = 4096
BATCH = 4096


def setup_inputs(seed: int = 0) -> dict:
    key = jax.random.key(seed)
    ks = jax.random.split(key, 24)
    inp = {}
    inp['user_features'] = jax.random.normal(ks[0], (N_USERS, D_USER), dtype=jnp.float32)
    inp['post_features'] = jax.random.normal(ks[1], (N_POSTS, D_POST), dtype=jnp.float32)
    inp['adj_matrix'] = jax.random.uniform(ks[2], (N_USERS + N_POSTS, N_USERS + N_POSTS), dtype=jnp.float32)
    inp['user_indices'] = jax.random.randint(ks[3], (BATCH,), 0, N_USERS, dtype=jnp.int64) if jax.config.jax_enable_x64 else jax.random.randint(ks[3], (BATCH,), 0, N_USERS, dtype=jnp.int32)
    inp['post_indices'] = jax.random.randint(ks[4], (BATCH,), 0, N_POSTS, dtype=jnp.int32)
    # learned parameters (in, out) layout
    inp['Wu'] = jax.random.normal(ks[5], (D_USER, H), dtype=jnp.float32) / np.sqrt(D_USER)
    inp['bu'] = jnp.zeros((H,), dtype=jnp.float32)
    inp['Wp'] = jax.random.normal(ks[6], (D_POST, H), dtype=jnp.float32) / np.sqrt(D_POST)
    inp['bp'] = jnp.zeros((H,), dtype=jnp.float32)
    inp['Wg0'] = jax.random.normal(ks[7], (H, H), dtype=jnp.float32) / np.sqrt(H)
    inp['bg0'] = jnp.zeros((H,), dtype=jnp.float32)
    inp['Wg1'] = jax.random.normal(ks[8], (H, H), dtype=jnp.float32) / np.sqrt(H)
    inp['bg1'] = jnp.zeros((H,), dtype=jnp.float32)
    inp['Wh0'] = jax.random.normal(ks[9], (2 * H, H), dtype=jnp.float32) / np.sqrt(2 * H)
    inp['bh0'] = jnp.zeros((H,), dtype=jnp.float32)
    inp['Wh1'] = jax.random.normal(ks[10], (H, H // 2), dtype=jnp.float32) / np.sqrt(H)
    inp['bh1'] = jnp.zeros((H // 2,), dtype=jnp.float32)
    inp['Wh2'] = jax.random.normal(ks[11], (H // 2, 1), dtype=jnp.float32) / np.sqrt(H // 2)
    inp['bh2'] = jnp.zeros((1,), dtype=jnp.float32)
    return inp


def reference(user_features, post_features, adj_matrix, user_indices, post_indices,
              Wu, bu, Wp, bp, Wg0, bg0, Wg1, bg1, Wh0, bh0, Wh1, bh1, Wh2, bh2):
    # projections
    user_emb = user_features @ Wu + bu
    post_emb = post_features @ Wp + bp
    all_feat = jnp.concatenate([user_emb, post_emb], axis=0)
    # GNN layers (eval mode: dropout is identity)
    h = all_feat
    for W, b in ((Wg0, bg0), (Wg1, bg1)):
        support = h @ W
        out = adj_matrix @ support + b
        h = jax.nn.relu(out)
    n_users = user_features.shape[0]
    user_final = h[:n_users]
    post_final = h[n_users:]
    bu_emb = user_final[user_indices]
    bp_emb = post_final[post_indices]
    combined = jnp.concatenate([bu_emb, bp_emb], axis=1)
    # recommendation head
    x = jax.nn.relu(combined @ Wh0 + bh0)
    x = jax.nn.relu(x @ Wh1 + bh1)
    scores = jax.nn.sigmoid(x @ Wh2 + bh2)
    return jnp.squeeze(scores, axis=-1)

if __name__ == "__main__":
    import jax
    _d = setup_inputs()
    print(jax.jit(kernel)(*tuple(_d.values())))

</pallas_src>

<mosaic_0001>
#map = affine_map<(d0, d1) -> (0, 0)>
#map1 = affine_map<(d0, d1) -> (0)>
module attributes {stable_mosaic.version = 14 : i64} {
  func.func @_gather_body(%arg0: i32, %arg1: i32, %arg2: memref<8192x128xf32, #tpu.memory_space<hbm>>, %arg3: memref<4096xi32, #tpu.memory_space<hbm>>, %arg4: memref<4096xi32, #tpu.memory_space<hbm>>, %arg5: memref<8192x128xf32, #tpu.memory_space<hbm>>, %arg6: memref<128xi32, #tpu.memory_space<vmem>>, %arg7: memref<128xi32, #tpu.memory_space<vmem>>, %arg8: memref<128x128xf32, #tpu.memory_space<vmem>>, %arg9: memref<128x128xf32, #tpu.memory_space<vmem>>, %arg10: memref<!tpu.dma_semaphore, #tpu.memory_space<semaphore_mem>>, %arg11: memref<!tpu.dma_semaphore, #tpu.memory_space<semaphore_mem>>) attributes {dimension_semantics = [#tpu.dimension_semantics<core_parallel>, #tpu.dimension_semantics<subcore_parallel>], iteration_bounds = array<i64: 2, 16>, scalar_prefetch = 0 : i64, scratch_operands = 6 : i64, tpu.core_type = #tpu.core_type<sc_vector_subcore>, window_params = [{transform_indices = #map}, {transform_indices = #map1}, {transform_indices = #map1}, {transform_indices = #map}]} {
    %mul3A = arith.constant 2 : i32
    %mul3A_0 = arith.muli %arg1, %mul3A : i32
    %add3A = arith.addi %mul3A_0, %arg0 : i32
    %mul3A_1 = arith.constant 128 : i32
    %mul3A_2 = arith.muli %add3A, %mul3A_1 : i32
    %dma_start3A = tpu.memref_slice %arg3[%mul3A_2] : memref<4096xi32, #tpu.memory_space<hbm>> -> memref<128xi32, #tpu.memory_space<hbm>>
    %dma_start3A_3 = tpu.memref_slice %arg3[%mul3A_2] : memref<4096xi32, #tpu.memory_space<hbm>> -> memref<128xi32, #tpu.memory_space<hbm>>
    tpu.enqueue_dma source(%dma_start3A_3 : memref<128xi32, #tpu.memory_space<hbm>>) target(%arg6 : memref<128xi32, #tpu.memory_space<vmem>>) target_semaphore(%arg10 : memref<!tpu.dma_semaphore, #tpu.memory_space<semaphore_mem>>)
    %dma_start3A_4 = tpu.memref_slice %arg4[%mul3A_2] : memref<4096xi32, #tpu.memory_space<hbm>> -> memref<128xi32, #tpu.memory_space<hbm>>
    %dma_start3A_5 = tpu.memref_slice %arg4[%mul3A_2] : memref<4096xi32, #tpu.memory_space<hbm>> -> memref<128xi32, #tpu.memory_space<hbm>>
    tpu.enqueue_dma source(%dma_start3A_5 : memref<128xi32, #tpu.memory_space<hbm>>) target(%arg7 : memref<128xi32, #tpu.memory_space<vmem>>) target_semaphore(%arg10 : memref<!tpu.dma_semaphore, #tpu.memory_space<semaphore_mem>>)
    %dma_wait3A = tpu.memref_slice %arg3[%mul3A_2] : memref<4096xi32, #tpu.memory_space<hbm>> -> memref<128xi32, #tpu.memory_space<hbm>>
    %dma_wait3A_6 = tpu.memref_slice %arg3[%mul3A_2] : memref<4096xi32, #tpu.memory_space<hbm>> -> memref<128xi32, #tpu.memory_space<hbm>>
    tpu.wait_dma2 semaphore(%arg10 : memref<!tpu.dma_semaphore, #tpu.memory_space<semaphore_mem>>) src(%dma_wait3A_6 : memref<128xi32, #tpu.memory_space<hbm>>) dst(%arg6 : memref<128xi32, #tpu.memory_space<vmem>>)
    %dma_start3A_7 = arith.constant 0 : i32
    %dma_start3A_8 = arith.constant 0 : i32
    %dma_start3A_9 = tpu.memref_slice %arg2[%dma_start3A_7, %dma_start3A_8] : memref<8192x128xf32, #tpu.memory_space<hbm>> -> memref<8192x128xf32, #tpu.memory_space<hbm>>
    tpu.enqueue_indirect_dma source(%dma_start3A_9 : memref<8192x128xf32, #tpu.memory_space<hbm>>) target(%arg8 : memref<128x128xf32, #tpu.memory_space<vmem>>) offsets(%arg6 : memref<128xi32, #tpu.memory_space<vmem>>) semaphore(%arg11 : memref<!tpu.dma_semaphore, #tpu.memory_space<semaphore_mem>>)
    %dma_wait3A_10 = tpu.memref_slice %arg4[%mul3A_2] : memref<4096xi32, #tpu.memory_space<hbm>> -> memref<128xi32, #tpu.memory_space<hbm>>
    %dma_wait3A_11 = tpu.memref_slice %arg4[%mul3A_2] : memref<4096xi32, #tpu.memory_space<hbm>> -> memref<128xi32, #tpu.memory_space<hbm>>
    tpu.wait_dma2 semaphore(%arg10 : memref<!tpu.dma_semaphore, #tpu.memory_space<semaphore_mem>>) src(%dma_wait3A_11 : memref<128xi32, #tpu.memory_space<hbm>>) dst(%arg7 : memref<128xi32, #tpu.memory_space<vmem>>)
    %get3A = arith.constant 0 : index
    %get3A_12 = tpu.vector_load %arg7[%get3A] {strides = array<i32>} : memref<128xi32, #tpu.memory_space<vmem>>, vector<16xi32>,
    %get3A_13 = vector.shape_cast %get3A_12 : vector<16xi32> to vector<16xi32>
    %add3A_14 = arith.constant 4096 : i32
    %add3A_15 = vector.broadcast %add3A_14 : i32 to vector<16xi32>
    %add3A_16 = arith.addi %get3A_13, %add3A_15 : vector<16xi32>
    %swap3A = arith.constant 0 : index
    %swap3A_17 = tpu.vector_load %arg7[%swap3A] {strides = array<i32>} : memref<128xi32, #tpu.memory_space<vmem>>, vector<16xi32>,
    %swap3A_18 = vector.shape_cast %swap3A_17 : vector<16xi32> to vector<16xi32>
    %swap3A_19 = vector.shape_cast %add3A_16 : vector<16xi32> to vector<16xi32>
    tpu.vector_store %arg7[%swap3A], %swap3A_19 {strides = array<i32>} : memref<128xi32, #tpu.memory_space<vmem>>, vector<16xi32>,
    %get3A_20 = arith.constant 16 : index
    %get3A_21 = tpu.vector_load %arg7[%get3A_20] {strides = array<i32>} : memref<128xi32, #tpu.memory_space<vmem>>, vector<16xi32>,
    %get3A_22 = vector.shape_cast %get3A_21 : vector<16xi32> to vector<16xi32>
    %add3A_23 = arith.constant 4096 : i32
    %add3A_24 = vector.broadcast %add3A_23 : i32 to vector<16xi32>
    %add3A_25 = arith.addi %get3A_22, %add3A_24 : vector<16xi32>
    %swap3A_26 = arith.constant 16 : index
    %swap3A_27 = tpu.vector_load %arg7[%swap3A_26] {strides = array<i32>} : memref<128xi32, #tpu.memory_space<vmem>>, vector<16xi32>,
    %swap3A_28 = vector.shape_cast %swap3A_27 : vector<16xi32> to vector<16xi32>
    %swap3A_29 = vector.shape_cast %add3A_25 : vector<16xi32> to vector<16xi32>
    tpu.vector_store %arg7[%swap3A_26], %swap3A_29 {strides = array<i32>} : memref<128xi32, #tpu.memory_space<vmem>>, vector<16xi32>,
    %get3A_30 = arith.constant 32 : index
    %get3A_31 = tpu.vector_load %arg7[%get3A_30] {strides = array<i32>} : memref<128xi32, #tpu.memory_space<vmem>>, vector<16xi32>,
    %get3A_32 = vector.shape_cast %get3A_31 : vector<16xi32> to vector<16xi32>
    %add3A_33 = arith.constant 4096 : i32
    %add3A_34 = vector.broadcast %add3A_33 : i32 to vector<16xi32>
    %add3A_35 = arith.addi %get3A_32, %add3A_34 : vector<16xi32>
    %swap3A_36 = arith.constant 32 : index
    %swap3A_37 = tpu.vector_load %arg7[%swap3A_36] {strides = array<i32>} : memref<128xi32, #tpu.memory_space<vmem>>, vector<16xi32>,
    %swap3A_38 = vector.shape_cast %swap3A_37 : vector<16xi32> to vector<16xi32>
    %swap3A_39 = vector.shape_cast %add3A_35 : vector<16xi32> to vector<16xi32>
    tpu.vector_store %arg7[%swap3A_36], %swap3A_39 {strides = array<i32>} : memref<128xi32, #tpu.memory_space<vmem>>, vector<16xi32>,
    %get3A_40 = arith.constant 48 : index
    %get3A_41 = tpu.vector_load %arg7[%get3A_40] {strides = array<i32>} : memref<128xi32, #tpu.memory_space<vmem>>, vector<16xi32>,
    %get3A_42 = vector.shape_cast %get3A_41 : vector<16xi32> to vector<16xi32>
    %add3A_43 = arith.constant 4096 : i32
    %add3A_44 = vector.broadcast %add3A_43 : i32 to vector<16xi32>
    %add3A_45 = arith.addi %get3A_42, %add3A_44 : vector<16xi32>
    %swap3A_46 = arith.constant 48 : index
    %swap3A_47 = tpu.vector_load %arg7[%swap3A_46] {strides = array<i32>} : memref<128xi32, #tpu.memory_space<vmem>>, vector<16xi32>,
    %swap3A_48 = vector.shape_cast %swap3A_47 : vector<16xi32> to vector<16xi32>
    %swap3A_49 = vector.shape_cast %add3A_45 : vector<16xi32> to vector<16xi32>
    tpu.vector_store %arg7[%swap3A_46], %swap3A_49 {strides = array<i32>} : memref<128xi32, #tpu.memory_space<vmem>>, vector<16xi32>,
    %get3A_50 = arith.constant 64 : index
    %get3A_51 = tpu.vector_load %arg7[%get3A_50] {strides = array<i32>} : memref<128xi32, #tpu.memory_space<vmem>>, vector<16xi32>,
    %get3A_52 = vector.shape_cast %get3A_51 : vector<16xi32> to vector<16xi32>
    %add3A_53 = arith.constant 4096 : i32
    %add3A_54 = vector.broadcast %add3A_53 : i32 to vector<16xi32>
    %add3A_55 = arith.addi %get3A_52, %add3A_54 : vector<16xi32>
    %swap3A_56 = arith.constant 64 : index
    %swap3A_57 = tpu.vector_load %arg7[%swap3A_56] {strides = array<i32>} : memref<128xi32, #tpu.memory_space<vmem>>, vector<16xi32>,
    %swap3A_58 = vector.shape_cast %swap3A_57 : vector<16xi32> to vector<16xi32>
    %swap3A_59 = vector.shape_cast %add3A_55 : vector<16xi32> to vector<16xi32>
    tpu.vector_store %arg7[%swap3A_56], %swap3A_59 {strides = array<i32>} : memref<128xi32, #tpu.memory_space<vmem>>, vector<16xi32>,
    %get3A_60 = arith.constant 80 : index
    %get3A_61 = tpu.vector_load %arg7[%get3A_60] {strides = array<i32>} : memref<128xi32, #tpu.memory_space<vmem>>, vector<16xi32>,
    %get3A_62 = vector.shape_cast %get3A_61 : vector<16xi32> to vector<16xi32>
    %add3A_63 = arith.constant 4096 : i32
    %add3A_64 = vector.broadcast %add3A_63 : i32 to vector<16xi32>
    %add3A_65 = arith.addi %get3A_62, %add3A_64 : vector<16xi32>
    %swap3A_66 = arith.constant 80 : index
    %swap3A_67 = tpu.vector_load %arg7[%swap3A_66] {strides = array<i32>} : memref<128xi32, #tpu.memory_space<vmem>>, vector<16xi32>,
    %swap3A_68 = vector.shape_cast %swap3A_67 : vector<16xi32> to vector<16xi32>
    %swap3A_69 = vector.shape_cast %add3A_65 : vector<16xi32> to vector<16xi32>
    tpu.vector_store %arg7[%swap3A_66], %swap3A_69 {strides = array<i32>} : memref<128xi32, #tpu.memory_space<vmem>>, vector<16xi32>,
    %get3A_70 = arith.constant 96 : index
    %get3A_71 = tpu.vector_load %arg7[%get3A_70] {strides = array<i32>} : memref<128xi32, #tpu.memory_space<vmem>>, vector<16xi32>,
    %get3A_72 = vector.shape_cast %get3A_71 : vector<16xi32> to vector<16xi32>
    %add3A_73 = arith.constant 4096 : i32
    %add3A_74 = vector.broadcast %add3A_73 : i32 to vector<16xi32>
    %add3A_75 = arith.addi %get3A_72, %add3A_74 : vector<16xi32>
    %swap3A_76 = arith.constant 96 : index
    %swap3A_77 = tpu.vector_load %arg7[%swap3A_76] {strides = array<i32>} : memref<128xi32, #tpu.memory_space<vmem>>, vector<16xi32>,
    %swap3A_78 = vector.shape_cast %swap3A_77 : vector<16xi32> to vector<16xi32>
    %swap3A_79 = vector.shape_cast %add3A_75 : vector<16xi32> to vector<16xi32>
    tpu.vector_store %arg7[%swap3A_76], %swap3A_79 {strides = array<i32>} : memref<128xi32, #tpu.memory_space<vmem>>, vector<16xi32>,
    %get3A_80 = arith.constant 112 : index
    %get3A_81 = tpu.vector_load %arg7[%get3A_80] {strides = array<i32>} : memref<128xi32, #tpu.memory_space<vmem>>, vector<16xi32>,
    %get3A_82 = vector.shape_cast %get3A_81 : vector<16xi32> to vector<16xi32>
    %add3A_83 = arith.constant 4096 : i32
    %add3A_84 = vector.broadcast %add3A_83 : i32 to vector<16xi32>
    %add3A_85 = arith.addi %get3A_82, %add3A_84 : vector<16xi32>
    %swap3A_86 = arith.constant 112 : index
    %swap3A_87 = tpu.vector_load %arg7[%swap3A_86] {strides = array<i32>} : memref<128xi32, #tpu.memory_space<vmem>>, vector<16xi32>,
    %swap3A_88 = vector.shape_cast %swap3A_87 : vector<16xi32> to vector<16xi32>
    %swap3A_89 = vector.shape_cast %add3A_85 : vector<16xi32> to vector<16xi32>
    tpu.vector_store %arg7[%swap3A_86], %swap3A_89 {strides = array<i32>} : memref<128xi32, #tpu.memory_space<vmem>>, vector<16xi32>,
    %dma_start3A_90 = arith.constant 0 : i32
    %dma_start3A_91 = arith.constant 0 : i32
    %dma_start3A_92 = tpu.memref_slice %arg2[%dma_start3A_90, %dma_start3A_91] : memref<8192x128xf32, #tpu.memory_space<hbm>> -> memref<8192x128xf32, #tpu.memory_space<hbm>>
    tpu.enqueue_indirect_dma source(%dma_start3A_92 : memref<8192x128xf32, #tpu.memory_space<hbm>>) target(%arg9 : memref<128x128xf32, #tpu.memory_space<vmem>>) offsets(%arg7 : memref<128xi32, #tpu.memory_space<vmem>>) semaphore(%arg11 : memref<!tpu.dma_semaphore, #tpu.memory_space<semaphore_mem>>)
    %dma_wait3A_93 = arith.constant 0 : i32
    %dma_wait3A_94 = arith.constant 0 : i32
    %dma_wait3A_95 = tpu.memref_slice %arg2[%dma_wait3A_93, %dma_wait3A_94] : memref<8192x128xf32, #tpu.memory_space<hbm>> -> memref<8192x128xf32, #tpu.memory_space<hbm>>
    tpu.wait_indirect_dma semaphore(%arg11 : memref<!tpu.dma_semaphore, #tpu.memory_space<semaphore_mem>>) src(%dma_wait3A_95 : memref<8192x128xf32, #tpu.memory_space<hbm>>) dst(%arg8 : memref<128x128xf32, #tpu.memory_space<vmem>>)
    "tpu.region"() ({
      %run_scoped3A = tpu.sem_alloc : memref<!tpu.dma_semaphore, #tpu.memory_space<semaphore_mem>>
      %dma_start3A_101 = arith.constant 0 : i32
      %dma_start3A_102 = tpu.memref_slice %arg5[%mul3A_2, %dma_start3A_101] : memref<8192x128xf32, #tpu.memory_space<hbm>> -> memref<128x128xf32, #tpu.memory_space<hbm>>
      %dma_start3A_103 = arith.constant 0 : i32
      %dma_start3A_104 = tpu.memref_slice %arg5[%mul3A_2, %dma_start3A_103] : memref<8192x128xf32, #tpu.memory_space<hbm>> -> memref<128x128xf32, #tpu.memory_space<hbm>>
      tpu.enqueue_dma source(%arg8 : memref<128x128xf32, #tpu.memory_space<vmem>>) target(%dma_start3A_104 : memref<128x128xf32, #tpu.memory_space<hbm>>) target_semaphore(%run_scoped3A : memref<!tpu.dma_semaphore, #tpu.memory_space<semaphore_mem>>)
      %dma_wait3A_105 = arith.constant 0 : i32
      %dma_wait3A_106 = tpu.memref_slice %arg5[%mul3A_2, %dma_wait3A_105] : memref<8192x128xf32, #tpu.memory_space<hbm>> -> memref<128x128xf32, #tpu.memory_space<hbm>>
      %dma_wait3A_107 = arith.constant 0 : i32
      %dma_wait3A_108 = tpu.memref_slice %arg5[%mul3A_2, %dma_wait3A_107] : memref<8192x128xf32, #tpu.memory_space<hbm>> -> memref<128x128xf32, #tpu.memory_space<hbm>>
      tpu.wait_dma2 semaphore(%run_scoped3A : memref<!tpu.dma_semaphore, #tpu.memory_space<semaphore_mem>>) src(%arg8 : memref<128x128xf32, #tpu.memory_space<vmem>>) dst(%dma_wait3A_108 : memref<128x128xf32, #tpu.memory_space<hbm>>)
      tpu.yield
    }) : () -> ()
    %dma_wait3A_96 = arith.constant 0 : i32
    %dma_wait3A_97 = arith.constant 0 : i32
    %dma_wait3A_98 = tpu.memref_slice %arg2[%dma_wait3A_96, %dma_wait3A_97] : memref<8192x128xf32, #tpu.memory_space<hbm>> -> memref<8192x128xf32, #tpu.memory_space<hbm>>
    tpu.wait_indirect_dma semaphore(%arg11 : memref<!tpu.dma_semaphore, #tpu.memory_space<semaphore_mem>>) src(%dma_wait3A_98 : memref<8192x128xf32, #tpu.memory_space<hbm>>) dst(%arg9 : memref<128x128xf32, #tpu.memory_space<vmem>>)
    %add3A_99 = arith.constant 4096 : i32
    %add3A_100 = arith.addi %add3A_99, %mul3A_2 : i32
    "tpu.region"() ({
      %run_scoped3A = tpu.sem_alloc : memref<!tpu.dma_semaphore, #tpu.memory_space<semaphore_mem>>
      %dma_start3A_101 = arith.constant 0 : i32
      %dma_start3A_102 = tpu.memref_slice %arg5[%add3A_100, %dma_start3A_101] : memref<8192x128xf32, #tpu.memory_space<hbm>> -> memref<128x128xf32, #tpu.memory_space<hbm>>
      %dma_start3A_103 = arith.constant 0 : i32
      %dma_start3A_104 = tpu.memref_slice %arg5[%add3A_100, %dma_start3A_103] : memref<8192x128xf32, #tpu.memory_space<hbm>> -> memref<128x128xf32, #tpu.memory_space<hbm>>
      tpu.enqueue_dma source(%arg9 : memref<128x128xf32, #tpu.memory_space<vmem>>) target(%dma_start3A_104 : memref<128x128xf32, #tpu.memory_space<hbm>>) target_semaphore(%run_scoped3A : memref<!tpu.dma_semaphore, #tpu.memory_space<semaphore_mem>>)
      %dma_wait3A_105 = arith.constant 0 : i32
      %dma_wait3A_106 = tpu.memref_slice %arg5[%add3A_100, %dma_wait3A_105] : memref<8192x128xf32, #tpu.memory_space<hbm>> -> memref<128x128xf32, #tpu.memory_space<hbm>>
      %dma_wait3A_107 = arith.constant 0 : i32
      %dma_wait3A_108 = tpu.memref_slice %arg5[%add3A_100, %dma_wait3A_107] : memref<8192x128xf32, #tpu.memory_space<hbm>> -> memref<128x128xf32, #tpu.memory_space<hbm>>
      tpu.wait_dma2 semaphore(%run_scoped3A : memref<!tpu.dma_semaphore, #tpu.memory_space<semaphore_mem>>) src(%arg9 : memref<128x128xf32, #tpu.memory_space<vmem>>) dst(%dma_wait3A_108 : memref<128x128xf32, #tpu.memory_space<hbm>>)
      tpu.yield
    }) : () -> ()
    return
  }
}

module attributes {stable_mosaic.version = 14 : i64} {
  func.func @_head_kernel(%arg0: i32, %arg1: memref<1024x128xf32, #tpu.memory_space<vmem>>, %arg2: memref<1024x128xf32, #tpu.memory_space<vmem>>, %arg3: memref<128x128xf32, #tpu.memory_space<vmem>>, %arg4: memref<128x128xf32, #tpu.memory_space<vmem>>, %arg5: memref<1x128xf32, #tpu.memory_space<vmem>>, %arg6: memref<128x64xf32, #tpu.memory_space<vmem>>, %arg7: memref<1x64xf32, #tpu.memory_space<vmem>>, %arg8: memref<64x1xf32, #tpu.memory_space<vmem>>, %arg9: memref<1x1xf32, #tpu.memory_space<vmem>>, %arg10: memref<1024x1xf32, #tpu.memory_space<vmem>>) attributes {dimension_semantics = [#tpu.dimension_semantics<arbitrary>], iteration_bounds = array<i64: 4>, scalar_prefetch = 0 : i64, scratch_operands = 0 : i64, tpu.core_type = #tpu.core_type<tc>, window_params = [{transform_indices = @transform_0, window_bounds = array<i64: 1024, 128>}, {transform_indices = @transform_1, window_bounds = array<i64: 1024, 128>}, {pipeline_mode = #tpu.pipeline_mode<synchronous>, transform_indices = @transform_2, window_bounds = array<i64: 128, 128>}, {pipeline_mode = #tpu.pipeline_mode<synchronous>, transform_indices = @transform_3, window_bounds = array<i64: 128, 128>}, {pipeline_mode = #tpu.pipeline_mode<synchronous>, transform_indices = @transform_4, window_bounds = array<i64: 1, 128>}, {pipeline_mode = #tpu.pipeline_mode<synchronous>, transform_indices = @transform_5, window_bounds = array<i64: 128, 64>}, {pipeline_mode = #tpu.pipeline_mode<synchronous>, transform_indices = @transform_6, window_bounds = array<i64: 1, 64>}, {pipeline_mode = #tpu.pipeline_mode<synchronous>, transform_indices = @transform_7, window_bounds = array<i64: 64, 1>}, {pipeline_mode = #tpu.pipeline_mode<synchronous>, transform_indices = @transform_8, window_bounds = array<i64: 1, 1>}, {transform_indices = @transform_9, window_bounds = array<i64: 1024, 1>}]} {
    %get3A = arith.constant 0 : index
    %get3A_0 = arith.constant 0 : index
    %get3A_1 = vector.load %arg1[%get3A, %get3A_0] : memref<1024x128xf32, #tpu.memory_space<vmem>>, vector<1024x128xf32>
    %get3A_2 = arith.constant 0 : index
    %get3A_3 = arith.constant 0 : index
    %get3A_4 = vector.load %arg3[%get3A_2, %get3A_3] : memref<128x128xf32, #tpu.memory_space<vmem>>, vector<128x128xf32>
    %dot_general3A = arith.constant dense<0.000000e+00> : vector<1024x128xf32>
    %dot_general3A_5 = tpu.matmul %get3A_1, %get3A_4, %dot_general3A {dimension_numbers = #tpu.dot_dimension_numbers<[1], [0], [0], [1], [0, 0, 1, 1], [], []>, transpose_lhs_hint = false} : vector<1024x128xf32>, vector<128x128xf32>, vector<1024x128xf32> -> vector<1024x128xf32>
    %get3A_6 = arith.constant 0 : index
    %get3A_7 = arith.constant 0 : index
    %get3A_8 = vector.load %arg2[%get3A_6, %get3A_7] : memref<1024x128xf32, #tpu.memory_space<vmem>>, vector<1024x128xf32>
    %get3A_9 = arith.constant 0 : index
    %get3A_10 = arith.constant 0 : index
    %get3A_11 = vector.load %arg4[%get3A_9, %get3A_10] : memref<128x128xf32, #tpu.memory_space<vmem>>, vector<128x128xf32>
    %dot_general3A_12 = arith.constant dense<0.000000e+00> : vector<1024x128xf32>
    %dot_general3A_13 = tpu.matmul %get3A_8, %get3A_11, %dot_general3A_12 {dimension_numbers = #tpu.dot_dimension_numbers<[1], [0], [0], [1], [0, 0, 1, 1], [], []>, transpose_lhs_hint = false} : vector<1024x128xf32>, vector<128x128xf32>, vector<1024x128xf32> -> vector<1024x128xf32>
    %add3A = arith.addf %dot_general3A_5, %dot_general3A_13 : vector<1024x128xf32>
    %get3A_14 = arith.constant 0 : index
    %get3A_15 = arith.constant 0 : index
    %get3A_16 = vector.load %arg5[%get3A_14, %get3A_15] : memref<1x128xf32, #tpu.memory_space<vmem>>, vector<1x128xf32>
    %add3A_17 = vector.broadcast %get3A_16 : vector<1x128xf32> to vector<1024x128xf32>
    %add3A_18 = arith.addf %add3A, %add3A_17 : vector<1024x128xf32>
    %max3A = arith.constant 0.000000e+00 : f32
    %max3A_19 = vector.broadcast %max3A : f32 to vector<1024x128xf32>
    %max3A_20 = arith.maximumf %add3A_18, %max3A_19 : vector<1024x128xf32>
    %get3A_21 = arith.constant 0 : index
    %get3A_22 = arith.constant 0 : index
    %get3A_23 = vector.load %arg6[%get3A_21, %get3A_22] : memref<128x64xf32, #tpu.memory_space<vmem>>, vector<128x64xf32>
    %dot_general3A_24 = arith.constant dense<0.000000e+00> : vector<1024x64xf32>
    %dot_general3A_25 = tpu.matmul %max3A_20, %get3A_23, %dot_general3A_24 {dimension_numbers = #tpu.dot_dimension_numbers<[1], [0], [0], [1], [0, 0, 1, 1], [], []>, transpose_lhs_hint = false} : vector<1024x128xf32>, vector<128x64xf32>, vector<1024x64xf32> -> vector<1024x64xf32>
    %get3A_26 = arith.constant 0 : index
    %get3A_27 = arith.constant 0 : index
    %get3A_28 = vector.load %arg7[%get3A_26, %get3A_27] : memref<1x64xf32, #tpu.memory_space<vmem>>, vector<1x64xf32>
    %add3A_29 = vector.broadcast %get3A_28 : vector<1x64xf32> to vector<1024x64xf32>
    %add3A_30 = arith.addf %dot_general3A_25, %add3A_29 : vector<1024x64xf32>
    %max3A_31 = arith.constant 0.000000e+00 : f32
    %max3A_32 = vector.broadcast %max3A_31 : f32 to vector<1024x64xf32>
    %max3A_33 = arith.maximumf %add3A_30, %max3A_32 : vector<1024x64xf32>
    %get3A_34 = arith.constant 0 : index
    %get3A_35 = arith.constant 0 : index
    %get3A_36 = vector.load %arg8[%get3A_34, %get3A_35] : memref<64x1xf32, #tpu.memory_space<vmem>>, vector<64x1xf32>
    %dot_general3A_37 = arith.constant dense<0.000000e+00> : vector<1024x1xf32>
    %dot_general3A_38 = tpu.matmul %max3A_33, %get3A_36, %dot_general3A_37 {dimension_numbers = #tpu.dot_dimension_numbers<[1], [0], [0], [1], [0, 0, 1, 1], [], []>, transpose_lhs_hint = false} : vector<1024x64xf32>, vector<64x1xf32>, vector<1024x1xf32> -> vector<1024x1xf32>
    %get3A_39 = arith.constant 0 : index
    %get3A_40 = arith.constant 0 : index
    %get3A_41 = vector.load %arg9[%get3A_39, %get3A_40] : memref<1x1xf32, #tpu.memory_space<vmem>>, vector<1x1xf32>
    %add3A_42 = vector.broadcast %get3A_41 : vector<1x1xf32> to vector<1024x1xf32>
    %add3A_43 = arith.addf %dot_general3A_38, %add3A_42 : vector<1024x1xf32>
    %logistic3A = arith.negf %add3A_43 : vector<1024x1xf32>
    %logistic3A_44 = math.exp %logistic3A : vector<1024x1xf32>
    %logistic3A_45 = arith.constant 1.000000e+00 : f32
    %logistic3A_46 = vector.broadcast %logistic3A_45 : f32 to vector<1024x1xf32>
    %logistic3A_47 = arith.addf %logistic3A_46, %logistic3A_44 : vector<1024x1xf32>
    %logistic3A_48 = arith.divf %logistic3A_46, %logistic3A_47 : vector<1024x1xf32>
    %swap3A = arith.constant 0 : index
    %swap3A_49 = arith.constant 0 : index
    %swap3A_50 = vector.load %arg10[%swap3A, %swap3A_49] : memref<1024x1xf32, #tpu.memory_space<vmem>>, vector<1024x1xf32>
    tpu.vector_store %arg10[%swap3A, %swap3A_49], %logistic3A_48 {strides = array<i32>} : memref<1024x1xf32, #tpu.memory_space<vmem>>, vector<1024x1xf32>,
    return
  }
  func.func @transform_0(%arg0: i32) -> (i32, i32) {
    %c0_i32 = arith.constant 0 : i32
    %c0_i32_0 = arith.constant 0 : i32
    return %arg0, %c0_i32 : i32, i32
  }
  func.func @transform_1(%arg0: i32) -> (i32, i32) {
    %add3A = arith.constant 4 : i32
    %add3A_0 = arith.addi %arg0, %add3A : i32
    %c0_i32 = arith.constant 0 : i32
    %c0_i32_1 = arith.constant 0 : i32
    return %add3A_0, %c0_i32 : i32, i32
  }
  func.func @transform_2(%arg0: i32) -> (i32, i32) {
    %c0_i32 = arith.constant 0 : i32
    %c0_i32_0 = arith.constant 0 : i32
    %c0_i32_1 = arith.constant 0 : i32
    return %c0_i32, %c0_i32_0 : i32, i32
  }
  func.func @transform_3(%arg0: i32) -> (i32, i32) {
    %c0_i32 = arith.constant 0 : i32
    %c0_i32_0 = arith.constant 0 : i32
    %c0_i32_1 = arith.constant 0 : i32
    return %c0_i32, %c0_i32_0 : i32, i32
  }
  func.func @transform_4(%arg0: i32) -> (i32, i32) {
    %c0_i32 = arith.constant 0 : i32
    %c0_i32_0 = arith.constant 0 : i32
    %c0_i32_1 = arith.constant 0 : i32
    return %c0_i32, %c0_i32_0 : i32, i32
  }
  func.func @transform_5(%arg0: i32) -> (i32, i32) {
    %c0_i32 = arith.constant 0 : i32
    %c0_i32_0 = arith.constant 0 : i32
    %c0_i32_1 = arith.constant 0 : i32
    return %c0_i32, %c0_i32_0 : i32, i32
  }
  func.func @transform_6(%arg0: i32) -> (i32, i32) {
    %c0_i32 = arith.constant 0 : i32
    %c0_i32_0 = arith.constant 0 : i32
    %c0_i32_1 = arith.constant 0 : i32
    return %c0_i32, %c0_i32_0 : i32, i32
  }
  func.func @transform_7(%arg0: i32) -> (i32, i32) {
    %c0_i32 = arith.constant 0 : i32
    %c0_i32_0 = arith.constant 0 : i32
    %c0_i32_1 = arith.constant 0 : i32
    return %c0_i32, %c0_i32_0 : i32, i32
  }
  func.func @transform_8(%arg0: i32) -> (i32, i32) {
    %c0_i32 = arith.constant 0 : i32
    %c0_i32_0 = arith.constant 0 : i32
    %c0_i32_1 = arith.constant 0 : i32
    return %c0_i32, %c0_i32_0 : i32, i32
  }
  func.func @transform_9(%arg0: i32) -> (i32, i32) {
    %c0_i32 = arith.constant 0 : i32
    %c0_i32_0 = arith.constant 0 : i32
    return %arg0, %c0_i32 : i32, i32
  }
}

module attributes {stable_mosaic.version = 14 : i64} {
  func.func @_gnn_kernel(%arg0: i32, %arg1: memref<4096x256xf32, #tpu.memory_space<vmem>>, %arg2: memref<4096x256xf32, #tpu.memory_space<vmem>>, %arg3: memref<256x8192xf32, #tpu.memory_space<vmem>>, %arg4: memref<256x128xf32, #tpu.memory_space<vmem>>, %arg5: memref<1x128xf32, #tpu.memory_space<vmem>>, %arg6: memref<256x128xf32, #tpu.memory_space<vmem>>, %arg7: memref<1x128xf32, #tpu.memory_space<vmem>>, %arg8: memref<128x128xf32, #tpu.memory_space<vmem>>, %arg9: memref<1x128xf32, #tpu.memory_space<vmem>>, %arg10: memref<128x128xf32, #tpu.memory_space<vmem>>, %arg11: memref<1x128xf32, #tpu.memory_space<vmem>>, %arg12: memref<256x128xf32, #tpu.memory_space<vmem>>, %arg13: memref<8192x128xf32, #tpu.memory_space<vmem>>, %arg14: memref<8192x128xf32, #tpu.memory_space<vmem>>) attributes {dimension_semantics = [#tpu.dimension_semantics<arbitrary>], iteration_bounds = array<i64: 65>, scalar_prefetch = 0 : i64, scratch_operands = 2 : i64, tpu.core_type = #tpu.core_type<tc>, window_params = [{pipeline_mode = #tpu.pipeline_mode<synchronous>, transform_indices = @transform_0, window_bounds = array<i64: 4096, 256>}, {pipeline_mode = #tpu.pipeline_mode<synchronous>, transform_indices = @transform_1, window_bounds = array<i64: 4096, 256>}, {transform_indices = @transform_2, window_bounds = array<i64: 256, 8192>}, {pipeline_mode = #tpu.pipeline_mode<synchronous>, transform_indices = @transform_3, window_bounds = array<i64: 256, 128>}, {pipeline_mode = #tpu.pipeline_mode<synchronous>, transform_indices = @transform_4, window_bounds = array<i64: 1, 128>}, {pipeline_mode = #tpu.pipeline_mode<synchronous>, transform_indices = @transform_5, window_bounds = array<i64: 256, 128>}, {pipeline_mode = #tpu.pipeline_mode<synchronous>, transform_indices = @transform_6, window_bounds = array<i64: 1, 128>}, {pipeline_mode = #tpu.pipeline_mode<synchronous>, transform_indices = @transform_7, window_bounds = array<i64: 128, 128>}, {pipeline_mode = #tpu.pipeline_mode<synchronous>, transform_indices = @transform_8, window_bounds = array<i64: 1, 128>}, {pipeline_mode = #tpu.pipeline_mode<synchronous>, transform_indices = @transform_9, window_bounds = array<i64: 128, 128>}, {pipeline_mode = #tpu.pipeline_mode<synchronous>, transform_indices = @transform_10, window_bounds = array<i64: 1, 128>}, {transform_indices = @transform_11, window_bounds = array<i64: 256, 128>}]} {
    %eq3A = arith.constant 0 : i32
    %eq3A_0 = arith.cmpi eq, %arg0, %eq3A : i32
    %convert_element_type3A = arith.extui %eq3A_0 : i1 to i32
    %cond3A = arith.constant 0 : i32
    %cond3A_1 = arith.cmpi ne, %convert_element_type3A, %cond3A : i32
    scf.if %cond3A_1 {
      %get3A = arith.constant 0 : index
      %get3A_11 = arith.constant 0 : index
      %get3A_12 = vector.load %arg1[%get3A, %get3A_11] : memref<4096x256xf32, #tpu.memory_space<vmem>>, vector<4096x256xf32>
      %get3A_13 = arith.constant 0 : index
      %get3A_14 = arith.constant 0 : index
      %get3A_15 = vector.load %arg4[%get3A_13, %get3A_14] : memref<256x128xf32, #tpu.memory_space<vmem>>, vector<256x128xf32>
      %dot_general3A = arith.constant dense<0.000000e+00> : vector<4096x128xf32>
      %dot_general3A_16 = tpu.matmul %get3A_12, %get3A_15, %dot_general3A {dimension_numbers = #tpu.dot_dimension_numbers<[1], [0], [0], [1], [0, 0, 1, 1], [], []>, transpose_lhs_hint = false} : vector<4096x256xf32>, vector<256x128xf32>, vector<4096x128xf32> -> vector<4096x128xf32>
      %get3A_17 = arith.constant 0 : index
      %get3A_18 = arith.constant 0 : index
      %get3A_19 = vector.load %arg5[%get3A_17, %get3A_18] : memref<1x128xf32, #tpu.memory_space<vmem>>, vector<1x128xf32>
      %add3A = vector.broadcast %get3A_19 : vector<1x128xf32> to vector<4096x128xf32>
      %add3A_20 = arith.addf %dot_general3A_16, %add3A : vector<4096x128xf32>
      %get3A_21 = arith.constant 0 : index
      %get3A_22 = arith.constant 0 : index
      %get3A_23 = vector.load %arg8[%get3A_21, %get3A_22] : memref<128x128xf32, #tpu.memory_space<vmem>>, vector<128x128xf32>
      %dot_general3A_24 = arith.constant dense<0.000000e+00> : vector<4096x128xf32>
      %dot_general3A_25 = tpu.matmul %add3A_20, %get3A_23, %dot_general3A_24 {dimension_numbers = #tpu.dot_dimension_numbers<[1], [0], [0], [1], [0, 0, 1, 1], [], []>, transpose_lhs_hint = false} : vector<4096x128xf32>, vector<128x128xf32>, vector<4096x128xf32> -> vector<4096x128xf32>
      %swap3A = arith.constant 0 : index
      %swap3A_26 = arith.constant 0 : index
      %swap3A_27 = vector.load %arg13[%swap3A, %swap3A_26] : memref<8192x128xf32, #tpu.memory_space<vmem>>, vector<4096x128xf32>
      tpu.vector_store %arg13[%swap3A, %swap3A_26], %dot_general3A_25 {strides = array<i32>} : memref<8192x128xf32, #tpu.memory_space<vmem>>, vector<4096x128xf32>,
      %get3A_28 = arith.constant 0 : index
      %get3A_29 = arith.constant 0 : index
      %get3A_30 = vector.load %arg2[%get3A_28, %get3A_29] : memref<4096x256xf32, #tpu.memory_space<vmem>>, vector<4096x256xf32>
      %get3A_31 = arith.constant 0 : index
      %get3A_32 = arith.constant 0 : index
      %get3A_33 = vector.load %arg6[%get3A_31, %get3A_32] : memref<256x128xf32, #tpu.memory_space<vmem>>, vector<256x128xf32>
      %dot_general3A_34 = arith.constant dense<0.000000e+00> : vector<4096x128xf32>
      %dot_general3A_35 = tpu.matmul %get3A_30, %get3A_33, %dot_general3A_34 {dimension_numbers = #tpu.dot_dimension_numbers<[1], [0], [0], [1], [0, 0, 1, 1], [], []>, transpose_lhs_hint = false} : vector<4096x256xf32>, vector<256x128xf32>, vector<4096x128xf32> -> vector<4096x128xf32>
      %get3A_36 = arith.constant 0 : index
      %get3A_37 = arith.constant 0 : index
      %get3A_38 = vector.load %arg7[%get3A_36, %get3A_37] : memref<1x128xf32, #tpu.memory_space<vmem>>, vector<1x128xf32>
      %add3A_39 = vector.broadcast %get3A_38 : vector<1x128xf32> to vector<4096x128xf32>
      %add3A_40 = arith.addf %dot_general3A_35, %add3A_39 : vector<4096x128xf32>
      %get3A_41 = arith.constant 0 : index
      %get3A_42 = arith.constant 0 : index
      %get3A_43 = vector.load %arg8[%get3A_41, %get3A_42] : memref<128x128xf32, #tpu.memory_space<vmem>>, vector<128x128xf32>
      %dot_general3A_44 = arith.constant dense<0.000000e+00> : vector<4096x128xf32>
      %dot_general3A_45 = tpu.matmul %add3A_40, %get3A_43, %dot_general3A_44 {dimension_numbers = #tpu.dot_dimension_numbers<[1], [0], [0], [1], [0, 0, 1, 1], [], []>, transpose_lhs_hint = false} : vector<4096x128xf32>, vector<128x128xf32>, vector<4096x128xf32> -> vector<4096x128xf32>
      %swap3A_46 = arith.constant 4096 : index
      %swap3A_47 = arith.constant 0 : index
      %swap3A_48 = vector.load %arg13[%swap3A_46, %swap3A_47] : memref<8192x128xf32, #tpu.memory_space<vmem>>, vector<4096x128xf32>
      tpu.vector_store %arg13[%swap3A_46, %swap3A_47], %dot_general3A_45 {strides = array<i32>} : memref<8192x128xf32, #tpu.memory_space<vmem>>, vector<4096x128xf32>,
    } else {
    }
    %ge3A = arith.constant 1 : i32
    %ge3A_2 = arith.cmpi sge, %arg0, %ge3A : i32
    %le3A = arith.constant 32 : i32
    %le3A_3 = arith.cmpi sle, %arg0, %le3A : i32
    %and3A = arith.andi %ge3A_2, %le3A_3 : i1
    %convert_element_type3A_4 = arith.extui %and3A : i1 to i32
    %cond3A_5 = arith.constant 0 : i32
    %cond3A_6 = arith.cmpi ne, %convert_element_type3A_4, %cond3A_5 : i32
    scf.if %cond3A_6 {
      %get3A = arith.constant 0 : index
      %get3A_11 = arith.constant 0 : index
      %get3A_12 = vector.load %arg3[%get3A, %get3A_11] : memref<256x8192xf32, #tpu.memory_space<vmem>>, vector<256x8192xf32>
      %get3A_13 = arith.constant 0 : index
      %get3A_14 = arith.constant 0 : index
      %get3A_15 = vector.load %arg13[%get3A_13, %get3A_14] : memref<8192x128xf32, #tpu.memory_space<vmem>>, vector<8192x128xf32>
      %dot_general3A = arith.constant dense<0.000000e+00> : vector<256x128xf32>
      %dot_general3A_16 = tpu.matmul %get3A_12, %get3A_15, %dot_general3A {dimension_numbers = #tpu.dot_dimension_numbers<[1], [0], [0], [1], [0, 0, 1, 1], [], []>, transpose_lhs_hint = false} : vector<256x8192xf32>, vector<8192x128xf32>, vector<256x128xf32> -> vector<256x128xf32>
      %get3A_17 = arith.constant 0 : index
      %get3A_18 = arith.constant 0 : index
      %get3A_19 = vector.load %arg9[%get3A_17, %get3A_18] : memref<1x128xf32, #tpu.memory_space<vmem>>, vector<1x128xf32>
      %add3A = vector.broadcast %get3A_19 : vector<1x128xf32> to vector<256x128xf32>
      %add3A_20 = arith.addf %dot_general3A_16, %add3A : vector<256x128xf32>
      %max3A = arith.constant 0.000000e+00 : f32
      %max3A_21 = vector.broadcast %max3A : f32 to vector<256x128xf32>
      %max3A_22 = arith.maximumf %add3A_20, %max3A_21 : vector<256x128xf32>
      %get3A_23 = arith.constant 0 : index
      %get3A_24 = arith.constant 0 : index
      %get3A_25 = vector.load %arg10[%get3A_23, %get3A_24] : memref<128x128xf32, #tpu.memory_space<vmem>>, vector<128x128xf32>
      %dot_general3A_26 = arith.constant dense<0.000000e+00> : vector<256x128xf32>
      %dot_general3A_27 = tpu.matmul %max3A_22, %get3A_25, %dot_general3A_26 {dimension_numbers = #tpu.dot_dimension_numbers<[1], [0], [0], [1], [0, 0, 1, 1], [], []>, transpose_lhs_hint = false} : vector<256x128xf32>, vector<128x128xf32>, vector<256x128xf32> -> vector<256x128xf32>
      %sub3A = arith.constant 1 : i32
      %sub3A_28 = arith.subi %arg0, %sub3A : i32
      %mul3A = arith.constant 256 : i32
      %mul3A_29 = arith.muli %sub3A_28, %mul3A : i32
      %swap3A = arith.index_cast %mul3A_29 : i32 to index
      %swap3A_30 = arith.constant 0 : index
      %swap3A_31 = vector.load %arg14[%swap3A, %swap3A_30] : memref<8192x128xf32, #tpu.memory_space<vmem>>, vector<256x128xf32>
      tpu.vector_store %arg14[%swap3A, %swap3A_30], %dot_general3A_27 {strides = array<i32>} : memref<8192x128xf32, #tpu.memory_space<vmem>>, vector<256x128xf32>,
    } else {
    }
    %gt3A = arith.constant 32 : i32
    %gt3A_7 = arith.cmpi sgt, %arg0, %gt3A : i32
    %convert_element_type3A_8 = arith.extui %gt3A_7 : i1 to i32
    %cond3A_9 = arith.constant 0 : i32
    %cond3A_10 = arith.cmpi ne, %convert_element_type3A_8, %cond3A_9 : i32
    scf.if %cond3A_10 {
      %get3A = arith.constant 0 : index
      %get3A_11 = arith.constant 0 : index
      %get3A_12 = vector.load %arg3[%get3A, %get3A_11] : memref<256x8192xf32, #tpu.memory_space<vmem>>, vector<256x8192xf32>
      %get3A_13 = arith.constant 0 : index
      %get3A_14 = arith.constant 0 : index
      %get3A_15 = vector.load %arg14[%get3A_13, %get3A_14] : memref<8192x128xf32, #tpu.memory_space<vmem>>, vector<8192x128xf32>
      %dot_general3A = arith.constant dense<0.000000e+00> : vector<256x128xf32>
      %dot_general3A_16 = tpu.matmul %get3A_12, %get3A_15, %dot_general3A {dimension_numbers = #tpu.dot_dimension_numbers<[1], [0], [0], [1], [0, 0, 1, 1], [], []>, transpose_lhs_hint = false} : vector<256x8192xf32>, vector<8192x128xf32>, vector<256x128xf32> -> vector<256x128xf32>
      %get3A_17 = arith.constant 0 : index
      %get3A_18 = arith.constant 0 : index
      %get3A_19 = vector.load %arg11[%get3A_17, %get3A_18] : memref<1x128xf32, #tpu.memory_space<vmem>>, vector<1x128xf32>
      %add3A = vector.broadcast %get3A_19 : vector<1x128xf32> to vector<256x128xf32>
      %add3A_20 = arith.addf %dot_general3A_16, %add3A : vector<256x128xf32>
      %max3A = arith.constant 0.000000e+00 : f32
      %max3A_21 = vector.broadcast %max3A : f32 to vector<256x128xf32>
      %max3A_22 = arith.maximumf %add3A_20, %max3A_21 : vector<256x128xf32>
      %swap3A = arith.constant 0 : index
      %swap3A_23 = arith.constant 0 : index
      %swap3A_24 = vector.load %arg12[%swap3A, %swap3A_23] : memref<256x128xf32, #tpu.memory_space<vmem>>, vector<256x128xf32>
      tpu.vector_store %arg12[%swap3A, %swap3A_23], %max3A_22 {strides = array<i32>} : memref<256x128xf32, #tpu.memory_space<vmem>>, vector<256x128xf32>,
    } else {
    }
    return
  }
  func.func @transform_0(%arg0: i32) -> (i32, i32) {
    %c0_i32 = arith.constant 0 : i32
    %c0_i32_0 = arith.constant 0 : i32
    %c0_i32_1 = arith.constant 0 : i32
    return %c0_i32, %c0_i32_0 : i32, i32
  }
  func.func @transform_1(%arg0: i32) -> (i32, i32) {
    %c0_i32 = arith.constant 0 : i32
    %c0_i32_0 = arith.constant 0 : i32
    %c0_i32_1 = arith.constant 0 : i32
    return %c0_i32, %c0_i32_0 : i32, i32
  }
  func.func @transform_2(%arg0: i32) -> (i32, i32) {
    %gt3A = arith.constant 32 : i32
    %gt3A_0 = arith.cmpi sgt, %arg0, %gt3A : i32
    %sub3A = arith.constant 32 : i32
    %sub3A_1 = arith.subi %arg0, %sub3A : i32
    %sub3A_2 = arith.constant 1 : i32
    %sub3A_3 = arith.subi %sub3A_1, %sub3A_2 : i32
    %sub3A_4 = arith.constant 1 : i32
    %sub3A_5 = arith.subi %arg0, %sub3A_4 : i32
    %max3A = arith.constant 0 : i32
    %max3A_6 = arith.maxsi %sub3A_5, %max3A : i32
    %select_n3A = arith.select %gt3A_0, %sub3A_3, %max3A_6 : i32
    %c0_i32 = arith.constant 0 : i32
    %c0_i32_7 = arith.constant 0 : i32
    return %select_n3A, %c0_i32 : i32, i32
  }
  func.func @transform_3(%arg0: i32) -> (i32, i32) {
    %c0_i32 = arith.constant 0 : i32
    %c0_i32_0 = arith.constant 0 : i32
    %c0_i32_1 = arith.constant 0 : i32
    return %c0_i32, %c0_i32_0 : i32, i32
  }
  func.func @transform_4(%arg0: i32) -> (i32, i32) {
    %c0_i32 = arith.constant 0 : i32
    %c0_i32_0 = arith.constant 0 : i32
    %c0_i32_1 = arith.constant 0 : i32
    return %c0_i32, %c0_i32_0 : i32, i32
  }
  func.func @transform_5(%arg0: i32) -> (i32, i32) {
    %c0_i32 = arith.constant 0 : i32
    %c0_i32_0 = arith.constant 0 : i32
    %c0_i32_1 = arith.constant 0 : i32
    return %c0_i32, %c0_i32_0 : i32, i32
  }
  func.func @transform_6(%arg0: i32) -> (i32, i32) {
    %c0_i32 = arith.constant 0 : i32
    %c0_i32_0 = arith.constant 0 : i32
    %c0_i32_1 = arith.constant 0 : i32
    return %c0_i32, %c0_i32_0 : i32, i32
  }
  func.func @transform_7(%arg0: i32) -> (i32, i32) {
    %c0_i32 = arith.constant 0 : i32
    %c0_i32_0 = arith.constant 0 : i32
    %c0_i32_1 = arith.constant 0 : i32
    return %c0_i32, %c0_i32_0 : i32, i32
  }
  func.func @transform_8(%arg0: i32) -> (i32, i32) {
    %c0_i32 = arith.constant 0 : i32
    %c0_i32_0 = arith.constant 0 : i32
    %c0_i32_1 = arith.constant 0 : i32
    return %c0_i32, %c0_i32_0 : i32, i32
  }
  func.func @transform_9(%arg0: i32) -> (i32, i32) {
    %c0_i32 = arith.constant 0 : i32
    %c0_i32_0 = arith.constant 0 : i32
    %c0_i32_1 = arith.constant 0 : i32
    return %c0_i32, %c0_i32_0 : i32, i32
  }
  func.func @transform_10(%arg0: i32) -> (i32, i32) {
    %c0_i32 = arith.constant 0 : i32
    %c0_i32_0 = arith.constant 0 : i32
    %c0_i32_1 = arith.constant 0 : i32
    return %c0_i32, %c0_i32_0 : i32, i32
  }
  func.func @transform_11(%arg0: i32) -> (i32, i32) {
    %sub3A = arith.constant 32 : i32
    %sub3A_0 = arith.subi %arg0, %sub3A : i32
    %sub3A_1 = arith.constant 1 : i32
    %sub3A_2 = arith.subi %sub3A_0, %sub3A_1 : i32
    %max3A = arith.constant 0 : i32
    %max3A_3 = arith.maxsi %sub3A_2, %max3A : i32
    %c0_i32 = arith.constant 0 : i32
    %c0_i32_4 = arith.constant 0 : i32
    return %max3A_3, %c0_i32 : i32, i32
  }
}

</mosaic_0001>

<sc_bundles>
// kernel: kernel.5.cloned.1.call-start
scs
__scs_entry_jumppad:
0x0: {  	(pc) =	sbr.rel $0x88, $3  }
0x1: {  	(tag) =	ssettag $0x0;
	lr =	simm.s32 $0x1  }
0x2: {  	[smem:$0x3F8E] =	sst lr;
	_ =	strace $0xD0000000  }
0x3: {  	_ = 	snop  }
0x4: {  	_ = 	snop  }
0x5: {  	_ = 	snop  }
0x6: {  	_ = 	snop  }
0x7: {  	_ = 	snop  }
__scs_overlays_trampoline_lowered:
0x8: {  	[smem:$0x3F9D] =	sst s0  }
0x9: {  	[smem:$0x3F9E] =	sst s1  }
0xa: {  	[smem:$0x3F9F] =	sst s2  }
0xb: {  	[smem:$0x3FA0] =	sst s3  }
0xc: {  	[smem:$0x3FA1] =	sst s4  }
0xd: {  	[smem:$0x3FA2] =	sst s5  }
0xe: {  	[smem:$0x3FA3] =	sst s6  }
0xf: {  	[smem:$0x3FA4] =	sst s7  }
0x10: {  	[smem:$0x3FA5] =	sst s8  }
0x11: {  	[smem:$0x3FA6] =	sst s9;
	s0 =	simm.s32 @!p0 $0x0  }
0x12: {  	s1 =	sld [smem:$0x3F8C];
	s0 =	simm.s32 @p0 $0x1  }
0x13: {  	[smem:$0x3FA7] =	sst s0;
	s0 =	simm.s32 @!p1 $0x0  }
0x14: {  	s2 =	sld [smem:$0x3F8B];
	s0 =	simm.s32 @p1 $0x1  }
0x15: {  	[smem:$0x3FA8] =	sst s0;
	s0 =	simm.s32 @!p2 $0x0  }
0x16: {  	s3 =	sld [smem:$0x3FDB];
	s0 =	simm.s32 @p2 $0x1  }
0x17: {  	s4 =	simm.s32 $0x1BF5;
	[smem:$0x3FAA] =	sst s0  }
0x18: {  	s0 =	sld [smem:$0x3F8D];
	_ =	swait.ge [sflag:s4], $0x0  }
0x19: {  	s7 =	sld [smem:$0x3F8E]  }
0x1a: {  	s8 =	sadd.s32 $0xFFFFE003, lr  }
0x1b: {  	s9 =	sadd.s32 $0xFFFFFEF7, lr;
	s5 =	simm.s32 $0xFFFFFFFF;
	p2 =	slt.u32 s8, $0xFFFFF086  }
0x1c: {  	p1 =	slt.u32 s9, $0xF7A;
	s5 =	simm.s32 @!p2 $0x0  }
0x1d: {  	s5 =	simm.s32 @p1 $0x1;
	p0 =	seq.s32 s7, s2  }
0x1e: {  	s7 =	smul.u32 @!p0 $0xF7A, s2;
	p2 =	seq.s32 @!p0 s5, $0x0  }
0x1f: {  	s9 =	smul.u32 $0xF7A, s1;
	s8 =	simm.s32 @!p0 $0x1BF5;
	p2 =	por !p2, p0  }
0x20: {  	[sflag:s8] =	ssyncset.s32 @!p0 $0xFFFFF086;
	s6 =	sadd.s32 @!p0 s3, s7;
	s7 =	simm.s32 @!p0 $0x108  }
0x21: {  	s3 =	sadd.s32 s3, s9;
	s6 =	sadd.s32 @!p0 $0x88, s6;
	s7 =	simm.s32 @p2 $0x1082  }
0x22: {  	[simem:s7], [sflag:s8] =	dma.local @!p0 [hbm:s6], $0xF7A  }
0x23: {  	s9 =	sor.u32 $0xD0000000, s2;
	s6 =	simm.s32 $0x108;
	_ =	swait.ge @!p0 [sflag:s8], $0x0  }
0x24: {  	s3 =	sadd.s32 $0x88, s3;
	s6 =	simm.s32 @!p1 $0x1082;
	[sflag:s4] =	ssyncset.s32 $0xFFFFF086  }
0x25: {  	[simem:s6], [sflag:s4] =	dma.local [hbm:s3], $0xF7A  }
0x26: {  	[smem:$0x3F8E] =	sst s1;
	(tag) =	ssettag s2;
	_ =	strace s9  }
0x27: {  	s1 =	sld [smem:$0x3F9E]  }
0x28: {  	s2 =	sld [smem:$0x3F9F]  }
0x29: {  	s4 =	sld [smem:$0x3FA1]  }
0x2a: {  	p0 =	seq.s32 s5, $0x0;
	s5 =	sld [smem:$0x3FA2]  }
0x2b: {  	s6 =	sld [smem:$0x3FA3]  }
0x2c: {  	s7 =	sld [smem:$0x3FA4]  }
0x2d: {  	s3 =	simm.s32 $0x108;
	s8 =	sld [smem:$0x3FA5]  }
0x2e: {  	s3 =	simm.s32 @!p0 $0x1082;
	s9 =	sld [smem:$0x3FA6]  }
0x2f: {  	lr =	sadd.s32 s0, s3;
	s0 =	sld [smem:$0x3F9D]  }
0x30: {  	s3 =	sld [smem:$0x3FA0]  }
0x31: {  	[smem:$0x3FA9] =	sst s10  }
0x32: {  	s10 =	sld [smem:$0x3FA7];
	_ =	sdelay $0x3  }
0x33: {  	p0 =	seq.s32 s10, $0x1;
	s10 =	sld [smem:$0x3FA9];
	_ =	sdelay $0x3  }
0x34: {  	[smem:$0x3FA9] =	sst s10  }
0x35: {  	s10 =	sld [smem:$0x3FA8];
	_ =	sdelay $0x3  }
0x36: {  	p1 =	seq.s32 s10, $0x1;
	s10 =	sld [smem:$0x3FA9];
	_ =	sdelay $0x3  }
0x37: {  	[smem:$0x3FA9] =	sst s10  }
0x38: {  	s10 =	sld [smem:$0x3FAA]  }
0x39: {  	_ = 	snop;
	(pc) =	sbr.ind lr, $3  }
0x3a: {  	_ = 	snop  }
0x3b: {  	_ = 	snop  }
0x3c: {  	p2 =	seq.s32 s10, $0x1;
	s10 =	sld [smem:$0x3FA9]  }
0x3d: {  	_ =	shalt  }
0x3e: {  	_ =	shalt  }
0x3f: {  	_ =	shalt  }
0x40: {  	_ =	shalt  }
0x41: {  	_ =	shalt  }
0x42: {  	_ =	shalt  }
0x43: {  	_ =	shalt  }
0x44: {  	_ =	shalt  }
0x45: {  	_ =	shalt  }
0x46: {  	_ =	shalt  }
0x47: {  	_ =	shalt  }
0x48: {  	_ =	shalt  }
0x49: {  	_ =	shalt  }
0x4a: {  	_ =	shalt  }
0x4b: {  	_ =	shalt  }
0x4c: {  	_ =	shalt  }
0x4d: {  	_ =	shalt  }
0x4e: {  	_ =	shalt  }
0x4f: {  	_ =	shalt  }
0x50: {  	_ =	shalt  }
0x51: {  	_ =	shalt  }
0x52: {  	_ =	shalt  }
0x53: {  	_ =	shalt  }
0x54: {  	_ =	shalt  }
0x55: {  	_ =	shalt  }
0x56: {  	_ =	shalt  }
0x57: {  	_ =	shalt  }
0x58: {  	_ =	shalt  }
0x59: {  	_ =	shalt  }
0x5a: {  	_ =	shalt  }
0x5b: {  	_ =	shalt  }
0x5c: {  	_ =	shalt  }
0x5d: {  	_ =	shalt  }
0x5e: {  	_ =	shalt  }
0x5f: {  	_ =	shalt  }
0x60: {  	_ =	shalt  }
0x61: {  	_ =	shalt  }
0x62: {  	_ =	shalt  }
0x63: {  	_ =	shalt  }
0x64: {  	_ =	shalt  }
0x65: {  	_ =	shalt  }
0x66: {  	_ =	shalt  }
0x67: {  	_ =	shalt  }
0x68: {  	_ =	shalt  }
0x69: {  	_ =	shalt  }
0x6a: {  	_ =	shalt  }
0x6b: {  	_ =	shalt  }
0x6c: {  	_ =	shalt  }
0x6d: {  	_ =	shalt  }
0x6e: {  	_ =	shalt  }
0x6f: {  	_ =	shalt  }
0x70: {  	_ =	shalt  }
0x71: {  	_ =	shalt  }
0x72: {  	_ =	shalt  }
0x73: {  	_ =	shalt  }
0x74: {  	_ =	shalt  }
0x75: {  	_ =	shalt  }
0x76: {  	_ =	shalt  }
0x77: {  	_ =	shalt  }
0x78: {  	_ =	shalt  }
0x79: {  	_ =	shalt  }
0x7a: {  	_ =	shalt  }
0x7b: {  	_ =	shalt  }
0x7c: {  	_ =	shalt  }
0x7d: {  	_ =	shalt  }
0x7e: {  	_ =	shalt  }
0x7f: {  	_ =	shalt  }
0x80: {  	_ =	shalt  }
0x81: {  	_ =	shalt  }
0x82: {  	_ =	shalt  }
0x83: {  	_ =	shalt  }
0x84: {  	_ =	shalt  }
0x85: {  	_ =	shalt  }
0x86: {  	_ =	shalt  }
0x87: {  	_ =	shalt  }
.Lfunc_end0:
.L_simem_size_0:
called_computation_lowered:
.L_overlay_start_0:
0x88: {  	s2 =	sld [smem:$0x3FD9]  }
0x89: {  	s3 =	sld [smem:$0x3FFE];
	_ =	sdelay $0x1  }
0x8a: {  	s1 =	srdreg.scid  }
0x8b: {  	s0 =	sand.u32 $0x1, s1  }
0x8c: {  	s17 =	sshll.u32 s0, $0xA;
	s2 =	sadd.s32 s3, s2  }
0x8d: {  	s2 =	sadd.s32 s2, s17  }
0x8e: {  	[smem:$0x3FB5] =	sst s2  }
0x8f: {  	_ = 	snop  }
0x90: {  	s2 =	sld [smem:$0x3FC6]  }
0x91: {  	s18 =	sld [smem:$0x3FC5];
	(tm) =	ssettm $0x1  }
0x92: {  	s4 =	sld [smem:$0x3FFB];
	_ =	sdelay $0x3  }
0x93: {  	_ =	strace s4  }
0x94: {  	s4 =	sld [smem:$0x3FFC];
	_ =	sdelay $0x3  }
0x95: {  	_ =	strace s4  }
0x96: {  	s4 =	sld [smem:$0x3FFD];
	_ =	sdelay $0x3  }
0x97: {  	_ =	strace s4  }
0x98: {  	_ =	strace $0x8FFFFFFF  }
0x99: {  	s19 =	sld [smem:$0x3FDB];
	_ =	sdelay $0x1  }
0x9a: {  	s5 =	simm.s32 $_scs_section_size  }
0x9b: {  	s6 =	simm.s32 $_size__tile_overlayer_lowered;
	s7 =	simm.s32 $_tile_overlayer_lowered  }
0x9c: {  	s22 =	simm.s32 $0x1BFF;
	s21 =	sshll.u32 s7, $0x1;
	s4 =	sadd.s32 s5, s19  }
0x9d: {  	s8 =	simm.s32 $0x0;
	s20 =	sshll.u32 s6, $0x1;
	s6 =	sadd.s32 s21, s4  }
0x9e: {  	[timem:s8], [sflag:s22] =	dma.local [hbm:s6], s20  }
0x9f: {  	_ =	swait.ge [sflag:s22], s20  }
0xa0: {  	s5 =	ssub.s32 $0x0, s20;
	[sflag:s22] =	ssyncset.done $0x0  }
0xa1: {  	[sflag:s22] =	ssyncadd.s32 s5;
	_ =	sdelay $0x1  }
0xa2: {  	s23 =	simm.s32 $0x1B8B  }
0xa3: {  	_ =	swait.ge [sflag:s23], $0x1  }
0xa4: {  	[sflag:s23] =	ssyncset.done $0x0  }
0xa5: {  	s25 =	simm.s32 $0x1B8E;
	s24 =	sld [smem:$0x3FFE];
	[sflag:s23] =	ssyncadd.s32 $0xFFFFFFFF  }
0xa6: {  	s26 =	simm.s32 $execute0_lowered;
	[smem:$0x3FD2] =	sst s25  }
0xa7: {  	s6 =	sshll.u32 s26, $0x1;
	_ =	strace $0x80000046;
	[dreg:$0x1] =	wrdreg $0xFFFFFFFF  }
0xa8: {  	s28 =	simm.s32 $_size_execute0_lowered;
	s4 =	sadd.s32 s4, s6;
	[dreg:$0x0] =	wrdreg $0x0  }
0xa9: {  	s6 =	sshll.u32 s28, $0x1;
	[dreg:$0x2] =	wrdreg s4  }
0xaa: {  	[dreg:$0x3] =	wrdreg s6  }
0xab: {  	[dreg:$0x4] =	wrdreg $0xC0  }
0xac: {  	_ =	task [dreg:s8], $0x5FFFF  }
0xad: {  	[dreg:$0x1] =	wrdreg $0xFFFFFFFF  }
0xae: {  	[dreg:$0x0] =	wrdreg $0x60  }
0xaf: {  	[dreg:$0x2] =	wrdreg s24  }
0xb0: {  	[dreg:$0x3] =	wrdreg s2  }
0xb1: {  	[dreg:$0x4] =	wrdreg s18  }
0xb2: {  	[dreg:$0x5] =	wrdreg $0x9  }
0xb3: {  	_ =	task.clear_ibuf [dreg:s8], $0x6FFFF;
	_ =	strace $0x90000046  }
0xb4: {  	s29 =	simm.s32 $0x9;
	_ =	strace $0x80000048  }
0xb5: {  	_ =	swait.ge [sflag:s29], $0x1  }
0xb6: {  	[sflag:s29] =	ssyncadd.s32 $0xFFFFFFFF  }
0xb7: {  	_ =	strace $0x90000048  }
0xb8: {  	_ =	sfence  }
0xb9: {  	s30 =	sld [smem:$0x0];
	_ =	sdelay $0x2  }
0xba: {  	s31 =	sshll.u32 s1, $0xD;
	s1 =	sshrl.u32 s1, $0x2  }
0xbb: {  	s3 =	sand.u32 $0x4000, s31;
	s1 =	sadd.s32 s1, s30  }
0xbc: {  	s0 =	sor.u32 s3, s0;
	s1 =	sshll.u32 s1, $0x11  }
0xbd: {  	s0 =	sor.u32 s1, s0  }
0xbe: {  	s0 =	sadd.s32 $0x8F2B, s0  }
0xbf: {  	[sflag:s0] =	ssyncadd.remote.s32 $0x1  }
0xc0: {  	_ =	sfence.sel $0xFFFF  }
0xc1: {  	[dreg:$0x0] =	wrdreg $0xFFFFFFFF;
	(pc) =	sbr.abs _section_cstart, $3  }
0xc2: {  	[dreg:$0x1] =	wrdreg $0xFFFFFFFF  }
0xc3: {  	_ =	task.clear_ibuf [dreg:s8], $0x2FFFF;
	_ =	strace $0x9FFFFFFF  }
0xc4: {  	(tm) =	ssettm $0x7FFFFFFF  }
0xc5: {  	_ =	shalt  }
tec
execute0_lowered:
.L_overlay_start_1:
0x0: {  	(tag) =	ssettag $0x1  }
0x1: {  	s1 =	srdreg.scid  }
0x2: {  	s11 =	rddreg [dreg:$0x0];
	s0 =	stileid.u32;
	s9 =	sand.u32 $0x1, s1  }
0x3: {  	s3 =	rddreg [dreg:$0x1];
	s5 =	sshll.u32 s0, $0x8;
	s6 =	sshll.u32 s9, $0x7  }
0x4: {  	s4 =	rddreg [dreg:$0x2];
	s2 =	simm.s32 $0x0;
	s10 =	sor.u32 s6, s5  }
0x5: {  	[smem:$0x7FF] =	sst s2;
	s5 =	sshrl.u32 s10, $0x3  }
0x6: {  	s1 =	rddreg [dreg:$0x3];
	_ =	strace $0x80000047;
	s3 =	sadd.s32 s3, s5  }
0x7: {  	[tilespmem:s2], [sflag:$0x1] =	stream.linear.gather [hbm4b:s3+s2], $0x80, $0x38;
	[tilespmem:$0x8100] =	vst v63  }
0x8: {  	s6 =	simm.s32 $0x1;
	s4 =	sadd.s32 s4, s5;
	s5 =	simm.s32 $0x80  }
0x9: {  	[tilespmem:s5], [sflag:$0x1] =	stream.linear.gather [hbm4b:s4+s2], $0x80, $0x38;
	[tilespmem:$0x8100] =	vst v63  }
0xa: {  	_ =	swait.ge [sflag:s6], $0x80  }
0xb: {  	[sflag:s6] =	ssyncset.done $0x0  }
0xc: {  	s8 =	simm.s32 $0x100;
	s7 =	sadd.s32 $0x2400, s11;
	[sflag:s6] =	ssyncadd.s32 $0xFFFFFF80  }
0xd: {  	[tilespmem:s8], [sflag:$0x2] =	stream.indirect.gather [hbm4b:s7+s5], $0x80, s2, s5, $0xb8;
	[tilespmem:$0x8100] =	vst v63  }
0xe: {  	_ =	swait.ge [sflag:s6], $0x80  }
0xf: {  	[sflag:s6] =	ssyncset.done $0x0  }
0x10: {  	[sflag:s6] =	ssyncadd.s32 $0xFFFFFF80  }
0x11: {  	v0 =	vld [tilespmem:$0xF0]  }
0x12: {  	v1 =	vld [tilespmem:$0xB0]  }
0x13: {  	v2 =	vld [tilespmem:$0xD0]  }
0x14: {  	v3 =	vld [tilespmem:$0xE0]  }
0x15: {  	v4 =	vld [tilespmem:$0xA0]  }
0x16: {  	v5 =	vld [tilespmem:$0x90];
	v0 =	vadd.s32 $0x1000, v0  }
0x17: {  	v6 =	vld [tilespmem:$0xC0];
	v1 =	vadd.s32 $0x1000, v1;
	[tilespmem:$0xF0] =	vst v0  }
0x18: {  	v58 =	vld [tilespmem:$0x80];
	v59 =	vadd.s32 $0x1000, v2;
	[tilespmem:$0xB0] =	vst v1  }
0x19: {  	v60 =	vadd.s32 $0x1000, v3;
	[tilespmem:$0xD0] =	vst v59  }
0x1a: {  	v61 =	vadd.s32 $0x1000, v4;
	[tilespmem:$0xE0] =	vst v60  }
0x1b: {  	s13 =	ssub.s32 $0x2, s9;
	v62 =	vadd.s32 $0x1000, v5;
	[tilespmem:$0xA0] =	vst v61  }
0x1c: {  	s31 =	sshrl.u32 s13, $0x1;
	s12 =	sshll.u32 s10, $0x4;
	v63 =	vadd.s32 $0x1000, v6;
	[tilespmem:$0x90] =	vst v62  }
0x1d: {  	s14 =	sadd.s32 s12, s11;
	s11 =	ssub.s32 s13, s31;
	v0 =	vadd.s32 $0x1000, v58;
	[tilespmem:$0xC0] =	vst v63  }
0x1e: {  	s9 =	simm.s32 $0x4100;
	s10 =	simm.s32 $0x2;
	s15 =	smax.u32 s11, $0x1;
	[tilespmem:$0x80] =	vst v0  }
0x1f: {  	[tilespmem:s9], [sflag:$0x2] =	stream.indirect.gather [hbm4b:s7+s5], $0x80, s5, s5, $0xb8;
	[tilespmem:$0x8100] =	vst v63  }
0x20: {  	p0 =	sne.s32 s15, $0x1;
	_ =	swait.ge [sflag:s10], $0x4000  }
.Ltmp0:
0x21: {  	[sflag:s10] =	ssyncset.done $0x0;
	(pc) =	sbr.rel @!p0 .LBB2_2-.Ltmp0, $4  }
0x22: {  	s12 =	sadd.s32 $0x22400, s14;
	s11 =	simm.s32 $0x3;
	[sflag:s10] =	ssyncadd.s32 $0xFFFFC000  }
0x23: {  	[hbm4b:s12+s2] =	stream.linear.scatter [tilespmem:s8], [sflag:$0x3], $0x4000, $0x38;
	[tilespmem:$0x8100] =	vst v63  }
0x24: {  	_ =	swait.ge [sflag:s11], $0x4000  }
0x25: {  	s13 =	sadd.s32 $0x32400, s14;
	s14 =	sadd.s32 $0xFFFFFFFF, s15;
	[sflag:s11] =	ssyncset.done $0x0  }
.LBB2_1:
0x26: {  	p0 =	sne.s32 s14, $0x1;
	s14 =	sadd.s32 $0xFFFFFFFF, s14;
	[sflag:s11] =	ssyncadd.s32 $0xFFFFC000  }
0x27: {  	_ =	swait.ge [sflag:s10], $0x4000  }
0x28: {  	[sflag:s10] =	ssyncset.done $0x0  }
0x29: {  	[sflag:s10] =	ssyncadd.s32 $0xFFFFC000  }
0x2a: {  	[hbm4b:s13+s2] =	stream.linear.scatter [tilespmem:s9], [sflag:$0x3], $0x4000, $0x38;
	[tilespmem:$0x8100] =	vst v63  }
0x2b: {  	_ =	swait.ge [sflag:s11], $0x4000  }
0x2c: {  	[sflag:s11] =	ssyncset.done $0x0  }
0x2d: {  	[sflag:s11] =	ssyncadd.s32 $0xFFFFC000  }
0x2e: {  	[tilespmem:s2], [sflag:$0x1] =	stream.linear.gather [hbm4b:s3+s2], $0x80, $0x38;
	[tilespmem:$0x8100] =	vst v63  }
0x2f: {  	_ = 	snop  }
0x30: {  	[tilespmem:s5], [sflag:$0x1] =	stream.linear.gather [hbm4b:s4+s2], $0x80, $0x38;
	[tilespmem:$0x8100] =	vst v63  }
0x31: {  	_ =	swait.ge [sflag:s6], $0x80  }
0x32: {  	[sflag:s6] =	ssyncset.done $0x0  }
0x33: {  	[sflag:s6] =	ssyncadd.s32 $0xFFFFFF80  }
0x34: {  	[tilespmem:s8], [sflag:$0x2] =	stream.indirect.gather [hbm4b:s7+s5], $0x80, s2, s5, $0xb8;
	[tilespmem:$0x8100] =	vst v63  }
0x35: {  	_ =	swait.ge [sflag:s6], $0x80  }
0x36: {  	[sflag:s6] =	ssyncset.done $0x0  }
0x37: {  	[sflag:s6] =	ssyncadd.s32 $0xFFFFFF80  }
0x38: {  	v0 =	vld [tilespmem:$0xF0]  }
0x39: {  	v1 =	vld [tilespmem:$0xB0]  }
0x3a: {  	v2 =	vld [tilespmem:$0xD0]  }
0x3b: {  	v3 =	vld [tilespmem:$0xE0]  }
0x3c: {  	v4 =	vld [tilespmem:$0xA0]  }
0x3d: {  	v5 =	vld [tilespmem:$0x90];
	v0 =	vadd.s32 $0x1000, v0  }
0x3e: {  	v1 =	vadd.s32 $0x1000, v1;
	v6 =	vld [tilespmem:$0xC0];
	[tilespmem:$0xF0] =	vst v0  }
0x3f: {  	v0 =	vld [tilespmem:$0x80];
	[tilespmem:$0xB0] =	vst v1;
	v1 =	vadd.s32 $0x1000, v2  }
0x40: {  	[tilespmem:$0xD0] =	vst v1;
	v1 =	vadd.s32 $0x1000, v3  }
0x41: {  	v2 =	vadd.s32 $0x1000, v4;
	[tilespmem:$0xE0] =	vst v1  }
0x42: {  	v1 =	vadd.s32 $0x1000, v5;
	[tilespmem:$0xA0] =	vst v2  }
0x43: {  	[tilespmem:$0x90] =	vst v1;
	v1 =	vadd.s32 $0x1000, v6  }
0x44: {  	v0 =	vadd.s32 $0x1000, v0;
	[tilespmem:$0xC0] =	vst v1  }
0x45: {  	[tilespmem:$0x80] =	vst v0  }
0x46: {  	[tilespmem:s9], [sflag:$0x2] =	stream.indirect.gather [hbm4b:s7+s5], $0x80, s5, s5, $0xb8;
	[tilespmem:$0x8100] =	vst v63  }
0x47: {  	_ =	swait.ge [sflag:s10], $0x4000  }
.Ltmp1:
0x48: {  	[sflag:s10] =	ssyncset.done $0x0;
	(pc) =	sbr.rel @p0 .LBB2_1-.Ltmp1, $4  }
0x49: {  	[sflag:s10] =	ssyncadd.s32 $0xFFFFC000  }
0x4a: {  	[hbm4b:s12+s2] =	stream.linear.scatter [tilespmem:s8], [sflag:$0x3], $0x4000, $0x38;
	[tilespmem:$0x8100] =	vst v63  }
0x4b: {  	_ =	swait.ge [sflag:s11], $0x4000  }
0x4c: {  	[sflag:s11] =	ssyncset.done $0x0  }
.LBB2_2:
0x4d: {  	[sflag:s11] =	ssyncadd.s32 $0xFFFFC000  }
0x4e: {  	_ =	swait.ge [sflag:s10], $0x4000  }
0x4f: {  	[sflag:s10] =	ssyncset.done $0x0  }
0x50: {  	[sflag:s10] =	ssyncadd.s32 $0xFFFFC000  }
0x51: {  	[hbm4b:s13+s2] =	stream.linear.scatter [tilespmem:s9], [sflag:$0x3], $0x4000, $0x38;
	[tilespmem:$0x8100] =	vst v63  }
0x52: {  	_ =	swait.ge [sflag:s11], $0x4000  }
0x53: {  	[sflag:s11] =	ssyncset.done $0x0  }
0x54: {  	[sflag:s11] =	ssyncadd.s32 $0xFFFFC000  }
0x55: {  	_ =	sfence.sel $0x180000  }
0x56: {  	[bflag:$0x0] =	sbarrier.arrive $0xFFFF  }
0x57: {  	p0 =	sne.s32 s0, $0x0;
	_ =	strace $0x90000047  }
0x58: {  	s0 =	sadd.s32 @!p0 $0x100000, s1;
	[bflag:$0x2] =	sbarrier.arrive $0xFFFF  }
0x59: {  	[sflag:s0] =	ssyncadd.tile.s32 @!p0 $0x1;
	_ =	shalt  }
.Lfunc_end2:
_tile_overlayer_lowered:
.L_overlay_start_2:
0x5a: {  	(tag) =	ssettag $0x2  }
0x5b: {  	s0 =	rddreg [dreg:$0x0];
	s2 =	stileid.u32  }
0x5c: {  	s1 =	rddreg [dreg:$0x1];
	p0 =	sne.s32 s2, $0x0  }
0x5d: {  	s3 =	rddreg [dreg:$0x2];
	[bflag:$0x3] =	sbarrier.arrive $0xFFFF;
	s2 =	simm.s32 @!p0 $0x1C03  }
0x5e: {  	[timem:s3], [sflag:s2] =	dma.local @!p0 [hbm:s0], s1  }
0x5f: {  	s0 =	simm.s32 @!p0 $0x3  }
0x60: {  	_ =	swait.ge @!p0 [sflag:s0], s1  }
0x61: {  	s1 =	ssub.s32 @!p0 $0x0, s1;
	[sflag:s0] =	ssyncset.done @!p0 $0x0  }
0x62: {  	[sflag:s0] =	ssyncadd.s32 @!p0 s1  }
0x63: {  	[bflag:$0x3] =	sbarrier.arrive $0xFFFF  }
0x64: {  	_ =	shalt  }

</sc_bundles>
